<compile_context>
chip_gen: v7x
topology: tpu7x:2x2x1
jax: 0.10.2.dev20260603
libtpu: 0.0.44.dev20260713+nightly
codegen_flags: <defaults>
</compile_context>

<pallas_src>
import functools

import jax
import jax.numpy as jnp
from jax import lax
from jax.experimental import pallas as pl
from jax.experimental.pallas import tpu as pltpu
from jax.experimental.pallas import tpu_sc as plsc

VOCAB = 100000
BATCH = 16384
FIELDS = 26
DEFAULT_VALUE = 0

_NC = 2
_NS = 16
_NW = _NC * _NS
_LANES = 16

_COLS_W = BATCH // _NW
_CHUNK = 256
_NCHUNK = _COLS_W // _CHUNK
_CVECS = _CHUNK // _LANES
_VOCAB_PAD = ((VOCAB + 127) // 128) * 128


def _body(inputs_hbm, table_hbm, out_hbm, tab_v, tab_sh, blk_v, tab_sem,
          io_sems):
  sid = lax.axis_index("s")
  wid = sid * _NC + lax.axis_index("c")
  col0 = wid * _COLS_W

  in_flight = []
  for c in range(_NCHUNK):
    in_flight.append(pltpu.async_copy(
        inputs_hbm.at[:, pl.ds(col0 + c * _CHUNK, _CHUNK)],
        blk_v[c], io_sems[c]))

  @pl.when(sid == 0)
  def _stage():
    pltpu.async_copy(table_hbm, tab_sh, tab_sem).wait()

  plsc.subcore_barrier()
  pltpu.sync_copy(tab_sh, tab_v.at[pl.ds(0, VOCAB)])

  lane = lax.iota(jnp.int32, _LANES)
  nvec = FIELDS * _CVECS

  out_flight = []
  for c in range(_NCHUNK):
    in_flight[c].wait()
    blk = blk_v[c]

    @plsc.parallel_loop(0, nvec, step=1, unroll=8)
    def vec_step(i):
      e = i * _LANES + lane
      r = jnp.right_shift(e, 8)
      cc = jnp.bitwise_and(e, _CHUNK - 1)
      keys = plsc.load_gather(blk, [r, cc])
      vals = plsc.load_gather(tab_v, [keys])
      plsc.store_scatter(blk, [r, cc], vals)

    out_flight.append(pltpu.async_copy(
        blk, out_hbm.at[:, pl.ds(col0 + c * _CHUNK, _CHUNK)], io_sems[c]))
  for cp in out_flight:
    cp.wait()


@functools.partial(
    pl.kernel,
    out_type=jax.ShapeDtypeStruct((FIELDS, BATCH), jnp.int32),
    mesh=plsc.VectorSubcoreMesh(core_axis_name="c", subcore_axis_name="s"),
    compiler_params=pltpu.CompilerParams(needs_layout_passes=False),
    scratch_types=[
        pltpu.VMEM((_VOCAB_PAD,), jnp.int32),
        pltpu.VMEM_SHARED((VOCAB,), jnp.int32),
        [pltpu.VMEM((FIELDS, _CHUNK), jnp.int32)] * _NCHUNK,
        pltpu.SemaphoreType.DMA,
        [pltpu.SemaphoreType.DMA] * _NCHUNK,
    ],
)
def _lookup(inputs_hbm, table_hbm, out_hbm, tab_v, tab_sh, blk_v, tab_sem,
            io_sems):
  _body(inputs_hbm, table_hbm, out_hbm, tab_v, tab_sh, blk_v, tab_sem,
        io_sems)


@jax.jit
def kernel(inputs, table_values):
  out_t = _lookup(inputs.T, table_values)
  return out_t.T

# --- scband reference (transcript-rebuilt; emitter-appended) ---
"""Pipeline reference for scband-lookup-table-7413113553453 (READ-ONLY COPY).

The authoritative reference and input builder live on the scoring server;
editing this copy changes nothing except your own understanding.
"""

import jax, jax.numpy as jnp
import numpy as np

VOCAB = 100000
BATCH = 16384
FIELDS = 26
DEFAULT_VALUE = 0


def setup_inputs(seed: int = 0) -> dict:
    key = jax.random.key(seed)
    k1, _ = jax.random.split(key)
    inputs = jax.random.randint(k1, (BATCH, FIELDS), 0, VOCAB, dtype=jnp.int64) if jax.config.jax_enable_x64 else jax.random.randint(k1, (BATCH, FIELDS), 0, VOCAB, dtype=jnp.int32).astype(jnp.int32)
    # Static hash table materialized as a dense value array indexed by key.
    # TextFileInitializer maps token (column 1) -> id (column 0); here keys are
    # already integer token ids, and the table maps id k -> value k (identity
    # mapping), so lookup(inputs) == inputs for in-vocab keys, matching the
    # original layer's behavior with vocab_path=None (identity passthrough).
    table_values = jnp.arange(VOCAB, dtype=inputs.dtype)
    return {"inputs": inputs, "table_values": table_values}


def reference(inputs, table_values):
    # StaticHashTable.lookup: gather value for each key; out-of-range keys get
    # default_value. SparseCore-friendly gather via jnp.take.
    in_range = (inputs >= 0) & (inputs < table_values.shape[0])
    safe_idx = jnp.clip(inputs, 0, table_values.shape[0] - 1)
    looked_up = jnp.take(table_values, safe_idx, axis=0)
    out = jnp.where(in_range, looked_up, jnp.asarray(DEFAULT_VALUE, dtype=looked_up.dtype))
    return out

if __name__ == "__main__":
    import jax
    _d = setup_inputs()
    print(jax.jit(kernel)(*tuple(_d.values())))

</pallas_src>

<mosaic_0001>
#map = affine_map<(d0, d1) -> (0, 0)>
#map1 = affine_map<(d0, d1) -> (0)>
module attributes {stable_mosaic.version = 14 : i64} {
  func.func @_lookup(%arg0: i32, %arg1: i32, %arg2: memref<26x16384xi32, #tpu.memory_space<hbm>>, %arg3: memref<100000xi32, #tpu.memory_space<hbm>>, %arg4: memref<26x16384xi32, #tpu.memory_space<hbm>>, %arg5: memref<100096xi32, #tpu.memory_space<vmem>>, %arg6: memref<100000xi32, #tpu.memory_space<vmem_shared>>, %arg7: memref<26x256xi32, #tpu.memory_space<vmem>>, %arg8: memref<26x256xi32, #tpu.memory_space<vmem>>, %arg9: memref<!tpu.dma_semaphore, #tpu.memory_space<semaphore_mem>>, %arg10: memref<!tpu.dma_semaphore, #tpu.memory_space<semaphore_mem>>, %arg11: memref<!tpu.dma_semaphore, #tpu.memory_space<semaphore_mem>>) attributes {dimension_semantics = [#tpu.dimension_semantics<core_parallel>, #tpu.dimension_semantics<subcore_parallel>], iteration_bounds = array<i64: 2, 16>, scalar_prefetch = 0 : i64, scratch_operands = 7 : i64, tpu.core_type = #tpu.core_type<sc_vector_subcore>, window_params = [{transform_indices = #map}, {transform_indices = #map1}, {transform_indices = #map}]} {
    %mul3A = arith.constant 2 : i32
    %mul3A_0 = arith.muli %arg1, %mul3A : i32
    %add3A = arith.addi %mul3A_0, %arg0 : i32
    %mul3A_1 = arith.constant 512 : i32
    %mul3A_2 = arith.muli %add3A, %mul3A_1 : i32
    %add3A_3 = arith.constant 0 : i32
    %add3A_4 = arith.addi %mul3A_2, %add3A_3 : i32
    %dma_start3A = arith.constant 0 : i32
    %dma_start3A_5 = tpu.memref_slice %arg2[%dma_start3A, %add3A_4] : memref<26x16384xi32, #tpu.memory_space<hbm>> -> memref<26x256xi32, #tpu.memory_space<hbm>>
    %dma_start3A_6 = arith.constant 0 : i32
    %dma_start3A_7 = tpu.memref_slice %arg2[%dma_start3A_6, %add3A_4] : memref<26x16384xi32, #tpu.memory_space<hbm>> -> memref<26x256xi32, #tpu.memory_space<hbm>>
    tpu.enqueue_dma source(%dma_start3A_7 : memref<26x256xi32, #tpu.memory_space<hbm>>) target(%arg7 : memref<26x256xi32, #tpu.memory_space<vmem>>) target_semaphore(%arg10 : memref<!tpu.dma_semaphore, #tpu.memory_space<semaphore_mem>>)
    %add3A_8 = arith.constant 256 : i32
    %add3A_9 = arith.addi %mul3A_2, %add3A_8 : i32
    %dma_start3A_10 = arith.constant 0 : i32
    %dma_start3A_11 = tpu.memref_slice %arg2[%dma_start3A_10, %add3A_9] : memref<26x16384xi32, #tpu.memory_space<hbm>> -> memref<26x256xi32, #tpu.memory_space<hbm>>
    %dma_start3A_12 = arith.constant 0 : i32
    %dma_start3A_13 = tpu.memref_slice %arg2[%dma_start3A_12, %add3A_9] : memref<26x16384xi32, #tpu.memory_space<hbm>> -> memref<26x256xi32, #tpu.memory_space<hbm>>
    tpu.enqueue_dma source(%dma_start3A_13 : memref<26x256xi32, #tpu.memory_space<hbm>>) target(%arg8 : memref<26x256xi32, #tpu.memory_space<vmem>>) target_semaphore(%arg11 : memref<!tpu.dma_semaphore, #tpu.memory_space<semaphore_mem>>)
    %eq3A = arith.constant 0 : i32
    %eq3A_14 = arith.cmpi eq, %arg1, %eq3A : i32
    %convert_element_type3A = arith.extui %eq3A_14 : i1 to i32
    %cond3A = arith.constant 0 : i32
    %cond3A_15 = arith.cmpi ne, %convert_element_type3A, %cond3A : i32
    scf.if %cond3A_15 {
      tpu.enqueue_dma source(%arg3 : memref<100000xi32, #tpu.memory_space<hbm>>) target(%arg6 : memref<100000xi32, #tpu.memory_space<vmem_shared>>) target_semaphore(%arg9 : memref<!tpu.dma_semaphore, #tpu.memory_space<semaphore_mem>>)
      tpu.wait_dma2 semaphore(%arg9 : memref<!tpu.dma_semaphore, #tpu.memory_space<semaphore_mem>>) src(%arg3 : memref<100000xi32, #tpu.memory_space<hbm>>) dst(%arg6 : memref<100000xi32, #tpu.memory_space<vmem_shared>>)
    } else {
    }
    %barrier3A = arith.constant 0 : index
    tpu.barrier barrier_id(%barrier3A)
    "tpu.region"() ({
      %run_scoped3A = tpu.sem_alloc : memref<!tpu.dma_semaphore, #tpu.memory_space<semaphore_mem>>
      %dma_start3A_48 = arith.constant 0 : i32
      %dma_start3A_49 = tpu.memref_slice %arg5[%dma_start3A_48] : memref<100096xi32, #tpu.memory_space<vmem>> -> memref<100000xi32, #tpu.memory_space<vmem>>
      %dma_start3A_50 = arith.constant 0 : i32
      %dma_start3A_51 = tpu.memref_slice %arg5[%dma_start3A_50] : memref<100096xi32, #tpu.memory_space<vmem>> -> memref<100000xi32, #tpu.memory_space<vmem>>
      tpu.enqueue_dma source(%arg6 : memref<100000xi32, #tpu.memory_space<vmem_shared>>) target(%dma_start3A_51 : memref<100000xi32, #tpu.memory_space<vmem>>) target_semaphore(%run_scoped3A : memref<!tpu.dma_semaphore, #tpu.memory_space<semaphore_mem>>)
      %dma_wait3A_52 = arith.constant 0 : i32
      %dma_wait3A_53 = tpu.memref_slice %arg5[%dma_wait3A_52] : memref<100096xi32, #tpu.memory_space<vmem>> -> memref<100000xi32, #tpu.memory_space<vmem>>
      %dma_wait3A_54 = arith.constant 0 : i32
      %dma_wait3A_55 = tpu.memref_slice %arg5[%dma_wait3A_54] : memref<100096xi32, #tpu.memory_space<vmem>> -> memref<100000xi32, #tpu.memory_space<vmem>>
      tpu.wait_dma2 semaphore(%run_scoped3A : memref<!tpu.dma_semaphore, #tpu.memory_space<semaphore_mem>>) src(%arg6 : memref<100000xi32, #tpu.memory_space<vmem_shared>>) dst(%dma_wait3A_55 : memref<100000xi32, #tpu.memory_space<vmem>>)
      tpu.yield
    }) : () -> ()
    %iota3A = tpu.iota {dimensions = array<i32: 0>} : vector<16xi32>
    %dma_wait3A = arith.constant 0 : i32
    %dma_wait3A_16 = tpu.memref_slice %arg2[%dma_wait3A, %add3A_4] : memref<26x16384xi32, #tpu.memory_space<hbm>> -> memref<26x256xi32, #tpu.memory_space<hbm>>
    %dma_wait3A_17 = arith.constant 0 : i32
    %dma_wait3A_18 = tpu.memref_slice %arg2[%dma_wait3A_17, %add3A_4] : memref<26x16384xi32, #tpu.memory_space<hbm>> -> memref<26x256xi32, #tpu.memory_space<hbm>>
    tpu.wait_dma2 semaphore(%arg10 : memref<!tpu.dma_semaphore, #tpu.memory_space<semaphore_mem>>) src(%dma_wait3A_18 : memref<26x256xi32, #tpu.memory_space<hbm>>) dst(%arg7 : memref<26x256xi32, #tpu.memory_space<vmem>>)
    %parallel_loop3A = arith.constant 0 : i32
    %parallel_loop3A_19 = arith.constant 416 : i32
    %parallel_loop3A_20 = arith.constant 1 : i32
    scf.for %parallel_loop3A_48 = %parallel_loop3A to %parallel_loop3A_19 step %parallel_loop3A_20  : i32 {
      %parallel_loop3A_49 = arith.constant 16 : i32
      %parallel_loop3A_50 = arith.muli %parallel_loop3A_48, %parallel_loop3A_49 : i32
      %parallel_loop3A_51 = vector.broadcast %parallel_loop3A_50 : i32 to vector<16xi32>
      %parallel_loop3A_52 = arith.addi %parallel_loop3A_51, %iota3A : vector<16xi32>
      %parallel_loop3A_53 = arith.constant 8 : i32
      %parallel_loop3A_54 = vector.broadcast %parallel_loop3A_53 : i32 to vector<16xi32>
      %parallel_loop3A_55 = arith.shrsi %parallel_loop3A_52, %parallel_loop3A_54 : vector<16xi32>
      %parallel_loop3A_56 = arith.constant 255 : i32
      %parallel_loop3A_57 = vector.broadcast %parallel_loop3A_56 : i32 to vector<16xi32>
      %parallel_loop3A_58 = arith.andi %parallel_loop3A_52, %parallel_loop3A_57 : vector<16xi32>
      %parallel_loop3A_59 = tpu.vector_load_idx %arg7[%parallel_loop3A_55, %parallel_loop3A_58] : memref<26x256xi32, #tpu.memory_space<vmem>>[vector<16xi32>, vector<16xi32>], vector<16xi32>,
      %parallel_loop3A_60 = tpu.vector_load_idx %arg5[%parallel_loop3A_59] : memref<100096xi32, #tpu.memory_space<vmem>>[vector<16xi32>], vector<16xi32>,
      tpu.vector_store_idx %arg7[%parallel_loop3A_55, %parallel_loop3A_58], %parallel_loop3A_60 : memref<26x256xi32, #tpu.memory_space<vmem>>[vector<16xi32>, vector<16xi32>], vector<16xi32>,
    } {sc.loop_unroll_factor = 8 : i64, sc.parallel_access}
    %add3A_21 = arith.constant 0 : i32
    %add3A_22 = arith.addi %mul3A_2, %add3A_21 : i32
    %dma_start3A_23 = arith.constant 0 : i32
    %dma_start3A_24 = tpu.memref_slice %arg4[%dma_start3A_23, %add3A_22] : memref<26x16384xi32, #tpu.memory_space<hbm>> -> memref<26x256xi32, #tpu.memory_space<hbm>>
    %dma_start3A_25 = arith.constant 0 : i32
    %dma_start3A_26 = tpu.memref_slice %arg4[%dma_start3A_25, %add3A_22] : memref<26x16384xi32, #tpu.memory_space<hbm>> -> memref<26x256xi32, #tpu.memory_space<hbm>>
    tpu.enqueue_dma source(%arg7 : memref<26x256xi32, #tpu.memory_space<vmem>>) target(%dma_start3A_26 : memref<26x256xi32, #tpu.memory_space<hbm>>) target_semaphore(%arg10 : memref<!tpu.dma_semaphore, #tpu.memory_space<semaphore_mem>>)
    %dma_wait3A_27 = arith.constant 0 : i32
    %dma_wait3A_28 = tpu.memref_slice %arg2[%dma_wait3A_27, %add3A_9] : memref<26x16384xi32, #tpu.memory_space<hbm>> -> memref<26x256xi32, #tpu.memory_space<hbm>>
    %dma_wait3A_29 = arith.constant 0 : i32
    %dma_wait3A_30 = tpu.memref_slice %arg2[%dma_wait3A_29, %add3A_9] : memref<26x16384xi32, #tpu.memory_space<hbm>> -> memref<26x256xi32, #tpu.memory_space<hbm>>
    tpu.wait_dma2 semaphore(%arg11 : memref<!tpu.dma_semaphore, #tpu.memory_space<semaphore_mem>>) src(%dma_wait3A_30 : memref<26x256xi32, #tpu.memory_space<hbm>>) dst(%arg8 : memref<26x256xi32, #tpu.memory_space<vmem>>)
    %parallel_loop3A_31 = arith.constant 0 : i32
    %parallel_loop3A_32 = arith.constant 416 : i32
    %parallel_loop3A_33 = arith.constant 1 : i32
    scf.for %parallel_loop3A_48 = %parallel_loop3A_31 to %parallel_loop3A_32 step %parallel_loop3A_33  : i32 {
      %parallel_loop3A_49 = arith.constant 16 : i32
      %parallel_loop3A_50 = arith.muli %parallel_loop3A_48, %parallel_loop3A_49 : i32
      %parallel_loop3A_51 = vector.broadcast %parallel_loop3A_50 : i32 to vector<16xi32>
      %parallel_loop3A_52 = arith.addi %parallel_loop3A_51, %iota3A : vector<16xi32>
      %parallel_loop3A_53 = arith.constant 8 : i32
      %parallel_loop3A_54 = vector.broadcast %parallel_loop3A_53 : i32 to vector<16xi32>
      %parallel_loop3A_55 = arith.shrsi %parallel_loop3A_52, %parallel_loop3A_54 : vector<16xi32>
      %parallel_loop3A_56 = arith.constant 255 : i32
      %parallel_loop3A_57 = vector.broadcast %parallel_loop3A_56 : i32 to vector<16xi32>
      %parallel_loop3A_58 = arith.andi %parallel_loop3A_52, %parallel_loop3A_57 : vector<16xi32>
      %parallel_loop3A_59 = tpu.vector_load_idx %arg8[%parallel_loop3A_55, %parallel_loop3A_58] : memref<26x256xi32, #tpu.memory_space<vmem>>[vector<16xi32>, vector<16xi32>], vector<16xi32>,
      %parallel_loop3A_60 = tpu.vector_load_idx %arg5[%parallel_loop3A_59] : memref<100096xi32, #tpu.memory_space<vmem>>[vector<16xi32>], vector<16xi32>,
      tpu.vector_store_idx %arg8[%parallel_loop3A_55, %parallel_loop3A_58], %parallel_loop3A_60 : memref<26x256xi32, #tpu.memory_space<vmem>>[vector<16xi32>, vector<16xi32>], vector<16xi32>,
    } {sc.loop_unroll_factor = 8 : i64, sc.parallel_access}
    %add3A_34 = arith.constant 256 : i32
    %add3A_35 = arith.addi %mul3A_2, %add3A_34 : i32
    %dma_start3A_36 = arith.constant 0 : i32
    %dma_start3A_37 = tpu.memref_slice %arg4[%dma_start3A_36, %add3A_35] : memref<26x16384xi32, #tpu.memory_space<hbm>> -> memref<26x256xi32, #tpu.memory_space<hbm>>
    %dma_start3A_38 = arith.constant 0 : i32
    %dma_start3A_39 = tpu.memref_slice %arg4[%dma_start3A_38, %add3A_35] : memref<26x16384xi32, #tpu.memory_space<hbm>> -> memref<26x256xi32, #tpu.memory_space<hbm>>
    tpu.enqueue_dma source(%arg8 : memref<26x256xi32, #tpu.memory_space<vmem>>) target(%dma_start3A_39 : memref<26x256xi32, #tpu.memory_space<hbm>>) target_semaphore(%arg11 : memref<!tpu.dma_semaphore, #tpu.memory_space<semaphore_mem>>)
    %dma_wait3A_40 = arith.constant 0 : i32
    %dma_wait3A_41 = tpu.memref_slice %arg4[%dma_wait3A_40, %add3A_22] : memref<26x16384xi32, #tpu.memory_space<hbm>> -> memref<26x256xi32, #tpu.memory_space<hbm>>
    %dma_wait3A_42 = arith.constant 0 : i32
    %dma_wait3A_43 = tpu.memref_slice %arg4[%dma_wait3A_42, %add3A_22] : memref<26x16384xi32, #tpu.memory_space<hbm>> -> memref<26x256xi32, #tpu.memory_space<hbm>>
    tpu.wait_dma2 semaphore(%arg10 : memref<!tpu.dma_semaphore, #tpu.memory_space<semaphore_mem>>) src(%arg7 : memref<26x256xi32, #tpu.memory_space<vmem>>) dst(%dma_wait3A_43 : memref<26x256xi32, #tpu.memory_space<hbm>>)
    %dma_wait3A_44 = arith.constant 0 : i32
    %dma_wait3A_45 = tpu.memref_slice %arg4[%dma_wait3A_44, %add3A_35] : memref<26x16384xi32, #tpu.memory_space<hbm>> -> memref<26x256xi32, #tpu.memory_space<hbm>>
    %dma_wait3A_46 = arith.constant 0 : i32
    %dma_wait3A_47 = tpu.memref_slice %arg4[%dma_wait3A_46, %add3A_35] : memref<26x16384xi32, #tpu.memory_space<hbm>> -> memref<26x256xi32, #tpu.memory_space<hbm>>
    tpu.wait_dma2 semaphore(%arg11 : memref<!tpu.dma_semaphore, #tpu.memory_space<semaphore_mem>>) src(%arg8 : memref<26x256xi32, #tpu.memory_space<vmem>>) dst(%dma_wait3A_47 : memref<26x256xi32, #tpu.memory_space<hbm>>)
    return
  }
}

</mosaic_0001>

<sc_bundles>
// kernel: kernel.3.cloned.1.call-start
scs
__scs_entry_jumppad:
0x0: {  	(pc) =	sbr.rel $0x88, $3  }
0x1: {  	(tag) =	ssettag $0x0;
	lr =	simm.s32 $0x1  }
0x2: {  	[smem:$0x3F9F] =	sst lr;
	_ =	strace $0xD0000000  }
0x3: {  	_ = 	snop  }
0x4: {  	_ = 	snop  }
0x5: {  	_ = 	snop  }
0x6: {  	_ = 	snop  }
0x7: {  	_ = 	snop  }
__scs_overlays_trampoline_lowered:
0x8: {  	[smem:$0x3FAE] =	sst s0  }
0x9: {  	[smem:$0x3FAF] =	sst s1  }
0xa: {  	[smem:$0x3FB0] =	sst s2  }
0xb: {  	[smem:$0x3FB1] =	sst s3  }
0xc: {  	[smem:$0x3FB2] =	sst s4  }
0xd: {  	[smem:$0x3FB3] =	sst s5  }
0xe: {  	[smem:$0x3FB4] =	sst s6  }
0xf: {  	[smem:$0x3FB5] =	sst s7  }
0x10: {  	[smem:$0x3FB6] =	sst s8  }
0x11: {  	[smem:$0x3FB7] =	sst s9;
	s0 =	simm.s32 @!p0 $0x0  }
0x12: {  	s1 =	sld [smem:$0x3F9D];
	s0 =	simm.s32 @p0 $0x1  }
0x13: {  	[smem:$0x3FB8] =	sst s0;
	s0 =	simm.s32 @!p1 $0x0  }
0x14: {  	s2 =	sld [smem:$0x3F9C];
	s0 =	simm.s32 @p1 $0x1  }
0x15: {  	[smem:$0x3FB9] =	sst s0;
	s0 =	simm.s32 @!p2 $0x0  }
0x16: {  	s3 =	sld [smem:$0x3FDB];
	s0 =	simm.s32 @p2 $0x1  }
0x17: {  	s4 =	simm.s32 $0x1BF5;
	[smem:$0x3FBB] =	sst s0  }
0x18: {  	s0 =	sld [smem:$0x3F9E];
	_ =	swait.ge [sflag:s4], $0x0  }
0x19: {  	s7 =	sld [smem:$0x3F9F]  }
0x1a: {  	s8 =	sadd.s32 $0xFFFFE003, lr  }
0x1b: {  	s9 =	sadd.s32 $0xFFFFFEF7, lr;
	s5 =	simm.s32 $0xFFFFFFFF;
	p2 =	slt.u32 s8, $0xFFFFF086  }
0x1c: {  	p1 =	slt.u32 s9, $0xF7A;
	s5 =	simm.s32 @!p2 $0x0  }
0x1d: {  	s5 =	simm.s32 @p1 $0x1;
	p0 =	seq.s32 s7, s2  }
0x1e: {  	s7 =	smul.u32 @!p0 $0xF7A, s2;
	p2 =	seq.s32 @!p0 s5, $0x0  }
0x1f: {  	s9 =	smul.u32 $0xF7A, s1;
	s8 =	simm.s32 @!p0 $0x1BF5;
	p2 =	por !p2, p0  }
0x20: {  	[sflag:s8] =	ssyncset.s32 @!p0 $0xFFFFF086;
	s6 =	sadd.s32 @!p0 s3, s7;
	s7 =	simm.s32 @!p0 $0x108  }
0x21: {  	s3 =	sadd.s32 s3, s9;
	s6 =	sadd.s32 @!p0 $0x88, s6;
	s7 =	simm.s32 @p2 $0x1082  }
0x22: {  	[simem:s7], [sflag:s8] =	dma.local @!p0 [hbm:s6], $0xF7A  }
0x23: {  	s9 =	sor.u32 $0xD0000000, s2;
	s6 =	simm.s32 $0x108;
	_ =	swait.ge @!p0 [sflag:s8], $0x0  }
0x24: {  	s3 =	sadd.s32 $0x88, s3;
	s6 =	simm.s32 @!p1 $0x1082;
	[sflag:s4] =	ssyncset.s32 $0xFFFFF086  }
0x25: {  	[simem:s6], [sflag:s4] =	dma.local [hbm:s3], $0xF7A  }
0x26: {  	[smem:$0x3F9F] =	sst s1;
	(tag) =	ssettag s2;
	_ =	strace s9  }
0x27: {  	s1 =	sld [smem:$0x3FAF]  }
0x28: {  	s2 =	sld [smem:$0x3FB0]  }
0x29: {  	s4 =	sld [smem:$0x3FB2]  }
0x2a: {  	p0 =	seq.s32 s5, $0x0;
	s5 =	sld [smem:$0x3FB3]  }
0x2b: {  	s6 =	sld [smem:$0x3FB4]  }
0x2c: {  	s7 =	sld [smem:$0x3FB5]  }
0x2d: {  	s3 =	simm.s32 $0x108;
	s8 =	sld [smem:$0x3FB6]  }
0x2e: {  	s3 =	simm.s32 @!p0 $0x1082;
	s9 =	sld [smem:$0x3FB7]  }
0x2f: {  	lr =	sadd.s32 s0, s3;
	s0 =	sld [smem:$0x3FAE]  }
0x30: {  	s3 =	sld [smem:$0x3FB1]  }
0x31: {  	[smem:$0x3FBA] =	sst s10  }
0x32: {  	s10 =	sld [smem:$0x3FB8];
	_ =	sdelay $0x3  }
0x33: {  	p0 =	seq.s32 s10, $0x1;
	s10 =	sld [smem:$0x3FBA];
	_ =	sdelay $0x3  }
0x34: {  	[smem:$0x3FBA] =	sst s10  }
0x35: {  	s10 =	sld [smem:$0x3FB9];
	_ =	sdelay $0x3  }
0x36: {  	p1 =	seq.s32 s10, $0x1;
	s10 =	sld [smem:$0x3FBA];
	_ =	sdelay $0x3  }
0x37: {  	[smem:$0x3FBA] =	sst s10  }
0x38: {  	s10 =	sld [smem:$0x3FBB]  }
0x39: {  	_ = 	snop;
	(pc) =	sbr.ind lr, $3  }
0x3a: {  	_ = 	snop  }
0x3b: {  	_ = 	snop  }
0x3c: {  	p2 =	seq.s32 s10, $0x1;
	s10 =	sld [smem:$0x3FBA]  }
0x3d: {  	_ =	shalt  }
0x3e: {  	_ =	shalt  }
0x3f: {  	_ =	shalt  }
0x40: {  	_ =	shalt  }
0x41: {  	_ =	shalt  }
0x42: {  	_ =	shalt  }
0x43: {  	_ =	shalt  }
0x44: {  	_ =	shalt  }
0x45: {  	_ =	shalt  }
0x46: {  	_ =	shalt  }
0x47: {  	_ =	shalt  }
0x48: {  	_ =	shalt  }
0x49: {  	_ =	shalt  }
0x4a: {  	_ =	shalt  }
0x4b: {  	_ =	shalt  }
0x4c: {  	_ =	shalt  }
0x4d: {  	_ =	shalt  }
0x4e: {  	_ =	shalt  }
0x4f: {  	_ =	shalt  }
0x50: {  	_ =	shalt  }
0x51: {  	_ =	shalt  }
0x52: {  	_ =	shalt  }
0x53: {  	_ =	shalt  }
0x54: {  	_ =	shalt  }
0x55: {  	_ =	shalt  }
0x56: {  	_ =	shalt  }
0x57: {  	_ =	shalt  }
0x58: {  	_ =	shalt  }
0x59: {  	_ =	shalt  }
0x5a: {  	_ =	shalt  }
0x5b: {  	_ =	shalt  }
0x5c: {  	_ =	shalt  }
0x5d: {  	_ =	shalt  }
0x5e: {  	_ =	shalt  }
0x5f: {  	_ =	shalt  }
0x60: {  	_ =	shalt  }
0x61: {  	_ =	shalt  }
0x62: {  	_ =	shalt  }
0x63: {  	_ =	shalt  }
0x64: {  	_ =	shalt  }
0x65: {  	_ =	shalt  }
0x66: {  	_ =	shalt  }
0x67: {  	_ =	shalt  }
0x68: {  	_ =	shalt  }
0x69: {  	_ =	shalt  }
0x6a: {  	_ =	shalt  }
0x6b: {  	_ =	shalt  }
0x6c: {  	_ =	shalt  }
0x6d: {  	_ =	shalt  }
0x6e: {  	_ =	shalt  }
0x6f: {  	_ =	shalt  }
0x70: {  	_ =	shalt  }
0x71: {  	_ =	shalt  }
0x72: {  	_ =	shalt  }
0x73: {  	_ =	shalt  }
0x74: {  	_ =	shalt  }
0x75: {  	_ =	shalt  }
0x76: {  	_ =	shalt  }
0x77: {  	_ =	shalt  }
0x78: {  	_ =	shalt  }
0x79: {  	_ =	shalt  }
0x7a: {  	_ =	shalt  }
0x7b: {  	_ =	shalt  }
0x7c: {  	_ =	shalt  }
0x7d: {  	_ =	shalt  }
0x7e: {  	_ =	shalt  }
0x7f: {  	_ =	shalt  }
0x80: {  	_ =	shalt  }
0x81: {  	_ =	shalt  }
0x82: {  	_ =	shalt  }
0x83: {  	_ =	shalt  }
0x84: {  	_ =	shalt  }
0x85: {  	_ =	shalt  }
0x86: {  	_ =	shalt  }
0x87: {  	_ =	shalt  }
.Lfunc_end0:
.L_simem_size_0:
called_computation_lowered:
.L_overlay_start_0:
0x88: {  	s2 =	sld [smem:$0x3FD9]  }
0x89: {  	s3 =	sld [smem:$0x3FFE];
	_ =	sdelay $0x1  }
0x8a: {  	s1 =	srdreg.scid  }
0x8b: {  	s0 =	sand.u32 $0x1, s1  }
0x8c: {  	s18 =	sshll.u32 s0, $0xA;
	s2 =	sadd.s32 s3, s2  }
0x8d: {  	s2 =	sadd.s32 s2, s18  }
0x8e: {  	[smem:$0x3FC6] =	sst s2  }
0x8f: {  	_ = 	snop  }
0x90: {  	s2 =	sld [smem:$0x3FC9]  }
0x91: {  	s19 =	sld [smem:$0x3FC8]  }
0x92: {  	s4 =	sld [smem:$0x3FD0];
	(tm) =	ssettm $0x1  }
0x93: {  	s5 =	sld [smem:$0x3FFB];
	_ =	sdelay $0x3  }
0x94: {  	_ =	strace s5  }
0x95: {  	s5 =	sld [smem:$0x3FFC];
	_ =	sdelay $0x3  }
0x96: {  	_ =	strace s5  }
0x97: {  	s5 =	sld [smem:$0x3FFD];
	_ =	sdelay $0x3  }
0x98: {  	_ =	strace s5  }
0x99: {  	_ =	strace $0x8FFFFFFF  }
0x9a: {  	s20 =	sld [smem:$0x3FDB];
	_ =	sdelay $0x1  }
0x9b: {  	s6 =	simm.s32 $_scs_section_size  }
0x9c: {  	s7 =	simm.s32 $_size__tile_overlayer_lowered;
	s8 =	simm.s32 $_tile_overlayer_lowered  }
0x9d: {  	s23 =	simm.s32 $0x1BFF;
	s22 =	sshll.u32 s8, $0x1;
	s5 =	sadd.s32 s6, s20  }
0x9e: {  	s9 =	simm.s32 $0x0;
	s21 =	sshll.u32 s7, $0x1;
	s7 =	sadd.s32 s22, s5  }
0x9f: {  	[timem:s9], [sflag:s23] =	dma.local [hbm:s7], s21  }
0xa0: {  	_ =	swait.ge [sflag:s23], s21  }
0xa1: {  	s6 =	ssub.s32 $0x0, s21;
	[sflag:s23] =	ssyncset.done $0x0  }
0xa2: {  	[sflag:s23] =	ssyncadd.s32 s6;
	_ =	sdelay $0x1  }
0xa3: {  	s24 =	simm.s32 $0x1B8B  }
0xa4: {  	_ =	swait.ge [sflag:s24], $0x1  }
0xa5: {  	[sflag:s24] =	ssyncset.done $0x0  }
0xa6: {  	s25 =	simm.s32 $0x1B8E;
	[sflag:s24] =	ssyncadd.s32 $0xFFFFFFFF  }
0xa7: {  	s26 =	simm.s32 $execute0_lowered;
	[smem:$0x3FD2] =	sst s25  }
0xa8: {  	s6 =	sshll.u32 s26, $0x1;
	_ =	strace $0x80000046;
	[dreg:$0x1] =	wrdreg $0xFFFFFFFF  }
0xa9: {  	s28 =	simm.s32 $_size_execute0_lowered;
	s5 =	sadd.s32 s5, s6;
	[dreg:$0x0] =	wrdreg $0x0  }
0xaa: {  	s6 =	sshll.u32 s28, $0x1;
	[dreg:$0x2] =	wrdreg s5  }
0xab: {  	[dreg:$0x3] =	wrdreg s6  }
0xac: {  	[dreg:$0x4] =	wrdreg $0xC0  }
0xad: {  	_ =	task [dreg:s9], $0x5FFFF  }
0xae: {  	[dreg:$0x1] =	wrdreg $0xFFFFFFFF  }
0xaf: {  	[dreg:$0x0] =	wrdreg $0x60  }
0xb0: {  	[dreg:$0x2] =	wrdreg s2  }
0xb1: {  	[dreg:$0x3] =	wrdreg s19  }
0xb2: {  	[dreg:$0x4] =	wrdreg s4  }
0xb3: {  	[dreg:$0x5] =	wrdreg $0x187000  }
0xb4: {  	[dreg:$0x6] =	wrdreg $0x9  }
0xb5: {  	_ =	task.clear_ibuf [dreg:s9], $0x7FFFF;
	_ =	strace $0x90000046  }
0xb6: {  	s29 =	simm.s32 $0x9;
	_ =	strace $0x80000048  }
0xb7: {  	_ =	swait.ge [sflag:s29], $0x1  }
0xb8: {  	[sflag:s29] =	ssyncadd.s32 $0xFFFFFFFF  }
0xb9: {  	_ =	strace $0x90000048  }
0xba: {  	_ =	sfence  }
0xbb: {  	s30 =	sld [smem:$0x0];
	_ =	sdelay $0x2  }
0xbc: {  	s31 =	sshll.u32 s1, $0xD;
	s1 =	sshrl.u32 s1, $0x2  }
0xbd: {  	s3 =	sand.u32 $0x4000, s31;
	s1 =	sadd.s32 s1, s30  }
0xbe: {  	s0 =	sor.u32 s3, s0;
	s1 =	sshll.u32 s1, $0x11  }
0xbf: {  	s0 =	sor.u32 s1, s0  }
0xc0: {  	s0 =	sadd.s32 $0x8F2B, s0  }
0xc1: {  	[sflag:s0] =	ssyncadd.remote.s32 $0x1  }
0xc2: {  	_ =	sfence.sel $0xFFFF  }
0xc3: {  	[dreg:$0x0] =	wrdreg $0xFFFFFFFF;
	(pc) =	sbr.abs _section_cstart, $3  }
0xc4: {  	[dreg:$0x1] =	wrdreg $0xFFFFFFFF  }
0xc5: {  	_ =	task.clear_ibuf [dreg:s9], $0x2FFFF;
	_ =	strace $0x9FFFFFFF  }
0xc6: {  	(tm) =	ssettm $0x7FFFFFFF  }
0xc7: {  	_ =	shalt  }
tec
execute0_lowered:
.L_overlay_start_1:
0x0: {  	(tag) =	ssettag $0x1  }
0x1: {  	s5 =	rddreg [dreg:$0x0]  }
0x2: {  	s1 =	rddreg [dreg:$0x1]  }
0x3: {  	s7 =	rddreg [dreg:$0x2]  }
0x4: {  	s2 =	rddreg [dreg:$0x3]  }
0x5: {  	s0 =	rddreg [dreg:$0x4];
	s4 =	srdreg.scid  }
0x6: {  	s3 =	simm.s32 $0x0;
	s9 =	stileid.u32;
	s12 =	simm.s32 $0x1BF70  }
0x7: {  	s14 =	simm.s32 $0x4;
	s15 =	simm.s32 $0x2;
	s16 =	simm.s32 $0x3  }
0x8: {  	s17 =	simm.s32 $0x0;
	s4 =	sand.u32 $0x1, s4;
	s8 =	sshll.u32 s9, $0xA  }
0x9: {  	[smem:$0x7FF] =	sst s3;
	p0 =	sne.s32 s9, $0x0;
	s9 =	simm.s32 $0x800  }
0xa: {  	s6 =	ssub.s32 $0x2, s4;
	s4 =	sshll.u32 s4, $0x9;
	_ =	strace $0x80000047  }
0xb: {  	v0 =	vlaneseq.u32;
	s13 =	sshrl.u32 @!p0 s2, $0x3;
	s10 =	sshrl.u32 s6, $0x1;
	s8 =	sor.u32 s4, s8  }
0xc: {  	v1 =	vor.u32 $0x10, v0;
	s10 =	ssub.s32 s6, s10;
	s11 =	sor.u32 $0x100, s8;
	s4 =	sadd.s32 s5, s8  }
0xd: {  	v2 =	vor.u32 $0x20, v0;
	v3 =	vor.u32 $0x30, v0;
	v4 =	vor.u32 $0x40, v0;
	s6 =	sadd.s32 s7, s8;
	s5 =	sadd.s32 s5, s11;
	s7 =	sadd.s32 s7, s11  }
0xe: {  	v5 =	vor.u32 $0x50, v0;
	v6 =	vor.u32 $0x60, v0;
	v7 =	vor.u32 $0x70, v0;
	s8 =	smax.u32 s10, $0x1;
	s10 =	simm.s32 $0x20000;
	s11 =	simm.s32 $0x19F70  }
.LBB2_1:
0xf: {  	[tilespmem:s11], [sflag:$0x2] =	stream.strided.gather [hbm4b:s4+s9], $0x2000, s10, s9, $0x38;
	[tilespmem:$0x1DF70] =	vst v63  }
0x10: {  	s18 =	simm.s32 @!p0 $0x1C01  }
0x11: {  	[tilespmem:s12], [sflag:$0x3] =	stream.strided.gather [hbm4b:s5+s9], $0x2000, s10, s9, $0x38;
	[tilespmem:$0x1DF70] =	vst v63  }
0x12: {  	[spmem:s13], [sflag:s18] =	dma.local @!p0 [hbm:s1], $0x30E0  }
0x13: {  	s18 =	simm.s32 @!p0 $0x1  }
0x14: {  	_ =	swait.ge @!p0 [sflag:s18], $0x30E0  }
0x15: {  	v8 =	vmov s3;
	[sflag:s18] =	ssyncset.done @!p0 $0x0  }
0x16: {  	v9 =	vshll.u32 v8, $0x3;
	[sflag:s18] =	ssyncadd.s32 @!p0 $0xFFFFCF20  }
0x17: {  	v10 =	vand.u32 $0x1800, v8;
	v8 =	vshrl.u32 v8, $0x1;
	v9 =	vand.u32 $0x400, v9;
	[bflag:$0x0] =	sbarrier.arrive $0xFFFF  }
0x18: {  	v8 =	vand.u32 $0x380, v8;
	v9 =	vor.u32 v9, v10;
	[tilespmem:s3], [sflag:$0x4] =	stream.linear.gather [spmem:s2], $0x186A0, $0x38;
	[tilespmem:$0x1DF70] =	vst v63  }
0x19: {  	v14 =	vor.u32 v8, v9;
	_ =	swait.ge [sflag:s14], $0x186A0  }
0x1a: {  	v12 =	vor.u32 v7, v14;
	[sflag:s14] =	ssyncset.done $0x0  }
0x1b: {  	v13 =	vor.u32 v0, v14;
	[sflag:s14] =	ssyncadd.s32 $0xFFFE7960  }
0x1c: {  	v9 =	vor.u32 v1, v14;
	_ =	swait.ge [sflag:s15], $0x2000  }
0x1d: {  	v10 =	vor.u32 v2, v14;
	[sflag:s15] =	ssyncset.done $0x0  }
0x1e: {  	v11 =	vor.u32 v3, v14;
	[sflag:s15] =	ssyncadd.s32 $0xFFFFE000  }
0x1f: {  	v8 =	vor.u32 v4, v14;
	v17 =	vld.idx.msk [tilespmem:v12+s11+$0x0], $0xffff  }
0x20: {  	v23 =	vor.u32 v5, v14;
	v18 =	vld.idx.msk [tilespmem:v13+s11+$0x0], $0xffff  }
0x21: {  	v16 =	vor.u32 v6, v14;
	v20 =	vld.idx.msk [tilespmem:v9+s11+$0x0], $0xffff  }
0x22: {  	v19 =	vld.idx.msk [tilespmem:v10+s11+$0x0], $0xffff  }
0x23: {  	v21 =	vld.idx.msk [tilespmem:v11+s11+$0x0], $0xffff  }
0x24: {  	s19 =	simm.s32 $0x80;
	s18 =	simm.s32 $0x0;
	v15 =	vmov v23;
	v14 =	vmov v16;
	v22 =	vld.idx.msk [tilespmem:v8+s11+$0x0], $0xffff  }
.LBB2_2:
0x25: {  	v24 =	vmov s19;
	s18 =	sadd.s32 $0x8, s18;
	v25 =	vld.idx.msk [tilespmem:v23+s11+$0x0], $0xffff  }
0x26: {  	v23 =	vshll.u32 v24, $0x3;
	p1 =	slt.u32 s18, $0x198;
	v26 =	vld.idx.msk [tilespmem:v16+s11+$0x0], $0xffff  }
0x27: {  	v16 =	vand.u32 $0x1800, v24;
	v24 =	vshrl.u32 v24, $0x1;
	v23 =	vand.u32 $0x400, v23;
	v17 =	vld.idx.msk [tilespmem:v17+s3+$0x0], $0xffff  }
0x28: {  	v24 =	vand.u32 $0x380, v24;
	v16 =	vor.u32 v23, v16;
	v18 =	vld.idx.msk [tilespmem:v18+s3+$0x0], $0xffff  }
0x29: {  	v16 =	vor.u32 v24, v16;
	v20 =	vld.idx.msk [tilespmem:v20+s3+$0x0], $0xffff  }
0x2a: {  	v24 =	vor.u32 v0, v16;
	v27 =	vor.u32 v1, v16;
	v28 =	vor.u32 v7, v16;
	v19 =	vld.idx.msk [tilespmem:v19+s3+$0x0], $0xffff  }
0x2b: {  	v29 =	vor.u32 v2, v16;
	v30 =	vor.u32 v3, v16;
	v31 =	vor.u32 v4, v16;
	v21 =	vld.idx.msk [tilespmem:v21+s3+$0x0], $0xffff  }
0x2c: {  	v23 =	vor.u32 v5, v16;
	v16 =	vor.u32 v6, v16;
	v22 =	vld.idx.msk [tilespmem:v22+s3+$0x0], $0xffff  }
0x2d: {  	v25 =	vld.idx.msk [tilespmem:v25+s3+$0x0], $0xffff;
	[tilespmem:v12+s11+$0x0] =	vst.idx.msk $0xffff, v17;
	v12 =	vmov v28  }
0x2e: {  	[tilespmem:v13+s11+$0x0] =	vst.idx.msk $0xffff, v18;
	v26 =	vld.idx.msk [tilespmem:v26+s3+$0x0], $0xffff;
	v13 =	vmov v24  }
0x2f: {  	v17 =	vld.idx.msk [tilespmem:v28+s11+$0x0], $0xffff;
	[tilespmem:v9+s11+$0x0] =	vst.idx.msk $0xffff, v20;
	v9 =	vmov v27  }
.Ltmp0:
0x30: {  	v18 =	vld.idx.msk [tilespmem:v24+s11+$0x0], $0xffff;
	[tilespmem:v10+s11+$0x0] =	vst.idx.msk $0xffff, v19;
	v10 =	vmov v29;
	(pc) =	sbr.rel @p1 .LBB2_2-.Ltmp0, $4  }
0x31: {  	v20 =	vld.idx.msk [tilespmem:v27+s11+$0x0], $0xffff;
	[tilespmem:v11+s11+$0x0] =	vst.idx.msk $0xffff, v21;
	v11 =	vmov v30  }
0x32: {  	v19 =	vld.idx.msk [tilespmem:v29+s11+$0x0], $0xffff;
	[tilespmem:v8+s11+$0x0] =	vst.idx.msk $0xffff, v22;
	v8 =	vmov v31  }
0x33: {  	v21 =	vld.idx.msk [tilespmem:v30+s11+$0x0], $0xffff;
	[tilespmem:v15+s11+$0x0] =	vst.idx.msk $0xffff, v25;
	v15 =	vmov v23  }
0x34: {  	s19 =	sadd.s32 $0x80, s19;
	v22 =	vld.idx.msk [tilespmem:v31+s11+$0x0], $0xffff;
	[tilespmem:v14+s11+$0x0] =	vst.idx.msk $0xffff, v26;
	v14 =	vmov v16  }
0x35: {  	_ =	sdelay $0x3  }
0x36: {  	v23 =	vld.idx.msk [tilespmem:v23+s11+$0x0], $0xffff  }
0x37: {  	v16 =	vld.idx.msk [tilespmem:v16+s11+$0x0], $0xffff  }
0x38: {  	v17 =	vld.idx.msk [tilespmem:v17+s3+$0x0], $0xffff  }
0x39: {  	v18 =	vld.idx.msk [tilespmem:v18+s3+$0x0], $0xffff  }
0x3a: {  	v20 =	vld.idx.msk [tilespmem:v20+s3+$0x0], $0xffff  }
0x3b: {  	v19 =	vld.idx.msk [tilespmem:v19+s3+$0x0], $0xffff  }
0x3c: {  	v21 =	vld.idx.msk [tilespmem:v21+s3+$0x0], $0xffff  }
0x3d: {  	v22 =	vld.idx.msk [tilespmem:v22+s3+$0x0], $0xffff;
	[tilespmem:v12+s11+$0x0] =	vst.idx.msk $0xffff, v17  }
0x3e: {  	s18 =	simm.s32 $0x0;
	[tilespmem:v13+s11+$0x0] =	vst.idx.msk $0xffff, v18;
	v12 =	vld.idx.msk [tilespmem:v23+s3+$0x0], $0xffff  }
0x3f: {  	[tilespmem:v9+s11+$0x0] =	vst.idx.msk $0xffff, v20;
	v9 =	vmov s18;
	v13 =	vld.idx.msk [tilespmem:v16+s3+$0x0], $0xffff  }
0x40: {  	[tilespmem:v10+s11+$0x0] =	vst.idx.msk $0xffff, v19;
	v10 =	vshll.u32 v9, $0x3  }
0x41: {  	[tilespmem:v11+s11+$0x0] =	vst.idx.msk $0xffff, v21;
	v11 =	vand.u32 $0x1800, v9;
	v10 =	vand.u32 $0x400, v10;
	v9 =	vshrl.u32 v9, $0x1  }
0x42: {  	[tilespmem:v8+s11+$0x0] =	vst.idx.msk $0xffff, v22;
	v8 =	vand.u32 $0x380, v9;
	v9 =	vor.u32 v10, v11  }
0x43: {  	[tilespmem:v15+s11+$0x0] =	vst.idx.msk $0xffff, v12;
	v15 =	vor.u32 v8, v9  }
0x44: {  	[tilespmem:v14+s11+$0x0] =	vst.idx.msk $0xffff, v13;
	v8 =	vor.u32 v7, v15  }
0x45: {  	[hbm4b:s6+s9] =	stream.strided.scatter [tilespmem:s11], [sflag:$0x2], $0x2000, s10, s9, $0x38;
	v10 =	vor.u32 v0, v15;
	[tilespmem:$0x1DF70] =	vst v63  }
0x46: {  	v9 =	vor.u32 v1, v15;
	_ =	swait.ge [sflag:s16], $0x2000  }
0x47: {  	v11 =	vor.u32 v2, v15;
	[sflag:s16] =	ssyncset.done $0x0  }
0x48: {  	v12 =	vor.u32 v3, v15;
	[sflag:s16] =	ssyncadd.s32 $0xFFFFE000  }
0x49: {  	v13 =	vor.u32 v4, v15;
	v17 =	vld.idx.msk [tilespmem:v8+s12+$0x0], $0xffff  }
0x4a: {  	v23 =	vor.u32 v5, v15;
	v18 =	vld.idx.msk [tilespmem:v10+s12+$0x0], $0xffff  }
0x4b: {  	v16 =	vor.u32 v6, v15;
	v20 =	vld.idx.msk [tilespmem:v9+s12+$0x0], $0xffff  }
0x4c: {  	v19 =	vld.idx.msk [tilespmem:v11+s12+$0x0], $0xffff  }
0x4d: {  	v21 =	vld.idx.msk [tilespmem:v12+s12+$0x0], $0xffff  }
0x4e: {  	s19 =	simm.s32 $0x80;
	s18 =	simm.s32 $0x0;
	v14 =	vmov v23;
	v15 =	vmov v16;
	v22 =	vld.idx.msk [tilespmem:v13+s12+$0x0], $0xffff  }
.LBB2_4:
0x4f: {  	v24 =	vmov s19;
	s18 =	sadd.s32 $0x8, s18;
	v25 =	vld.idx.msk [tilespmem:v23+s12+$0x0], $0xffff  }
0x50: {  	v23 =	vshll.u32 v24, $0x3;
	p1 =	slt.u32 s18, $0x198;
	v26 =	vld.idx.msk [tilespmem:v16+s12+$0x0], $0xffff  }
0x51: {  	v16 =	vand.u32 $0x1800, v24;
	v24 =	vshrl.u32 v24, $0x1;
	v23 =	vand.u32 $0x400, v23;
	v17 =	vld.idx.msk [tilespmem:v17+s3+$0x0], $0xffff  }
0x52: {  	v24 =	vand.u32 $0x380, v24;
	v16 =	vor.u32 v23, v16;
	v18 =	vld.idx.msk [tilespmem:v18+s3+$0x0], $0xffff  }
0x53: {  	v16 =	vor.u32 v24, v16;
	v20 =	vld.idx.msk [tilespmem:v20+s3+$0x0], $0xffff  }
0x54: {  	v24 =	vor.u32 v0, v16;
	v27 =	vor.u32 v1, v16;
	v28 =	vor.u32 v7, v16;
	v19 =	vld.idx.msk [tilespmem:v19+s3+$0x0], $0xffff  }
0x55: {  	v29 =	vor.u32 v2, v16;
	v30 =	vor.u32 v3, v16;
	v31 =	vor.u32 v4, v16;
	v21 =	vld.idx.msk [tilespmem:v21+s3+$0x0], $0xffff  }
0x56: {  	v23 =	vor.u32 v5, v16;
	v16 =	vor.u32 v6, v16;
	v22 =	vld.idx.msk [tilespmem:v22+s3+$0x0], $0xffff  }
0x57: {  	v25 =	vld.idx.msk [tilespmem:v25+s3+$0x0], $0xffff;
	[tilespmem:v8+s12+$0x0] =	vst.idx.msk $0xffff, v17;
	v8 =	vmov v28  }
0x58: {  	[tilespmem:v10+s12+$0x0] =	vst.idx.msk $0xffff, v18;
	v26 =	vld.idx.msk [tilespmem:v26+s3+$0x0], $0xffff;
	v10 =	vmov v24  }
0x59: {  	v17 =	vld.idx.msk [tilespmem:v28+s12+$0x0], $0xffff;
	[tilespmem:v9+s12+$0x0] =	vst.idx.msk $0xffff, v20;
	v9 =	vmov v27  }
.Ltmp1:
0x5a: {  	v18 =	vld.idx.msk [tilespmem:v24+s12+$0x0], $0xffff;
	[tilespmem:v11+s12+$0x0] =	vst.idx.msk $0xffff, v19;
	v11 =	vmov v29;
	(pc) =	sbr.rel @p1 .LBB2_4-.Ltmp1, $4  }
0x5b: {  	v20 =	vld.idx.msk [tilespmem:v27+s12+$0x0], $0xffff;
	[tilespmem:v12+s12+$0x0] =	vst.idx.msk $0xffff, v21;
	v12 =	vmov v30  }
0x5c: {  	v19 =	vld.idx.msk [tilespmem:v29+s12+$0x0], $0xffff;
	[tilespmem:v13+s12+$0x0] =	vst.idx.msk $0xffff, v22;
	v13 =	vmov v31  }
0x5d: {  	v21 =	vld.idx.msk [tilespmem:v30+s12+$0x0], $0xffff;
	[tilespmem:v14+s12+$0x0] =	vst.idx.msk $0xffff, v25;
	v14 =	vmov v23  }
0x5e: {  	s19 =	sadd.s32 $0x80, s19;
	v22 =	vld.idx.msk [tilespmem:v31+s12+$0x0], $0xffff;
	[tilespmem:v15+s12+$0x0] =	vst.idx.msk $0xffff, v26;
	v15 =	vmov v16  }
0x5f: {  	_ =	sdelay $0x3  }
0x60: {  	v23 =	vld.idx.msk [tilespmem:v23+s12+$0x0], $0xffff  }
0x61: {  	v16 =	vld.idx.msk [tilespmem:v16+s12+$0x0], $0xffff  }
0x62: {  	v17 =	vld.idx.msk [tilespmem:v17+s3+$0x0], $0xffff  }
0x63: {  	v18 =	vld.idx.msk [tilespmem:v18+s3+$0x0], $0xffff  }
0x64: {  	v20 =	vld.idx.msk [tilespmem:v20+s3+$0x0], $0xffff  }
0x65: {  	v19 =	vld.idx.msk [tilespmem:v19+s3+$0x0], $0xffff  }
0x66: {  	v21 =	vld.idx.msk [tilespmem:v21+s3+$0x0], $0xffff  }
0x67: {  	v22 =	vld.idx.msk [tilespmem:v22+s3+$0x0], $0xffff;
	[tilespmem:v8+s12+$0x0] =	vst.idx.msk $0xffff, v17  }
0x68: {  	[tilespmem:v10+s12+$0x0] =	vst.idx.msk $0xffff, v18;
	v8 =	vld.idx.msk [tilespmem:v23+s3+$0x0], $0xffff  }
0x69: {  	[tilespmem:v9+s12+$0x0] =	vst.idx.msk $0xffff, v20;
	v63 =	vld.idx.msk [tilespmem:v16+s3+$0x0], $0xffff  }
0x6a: {  	[tilespmem:v11+s12+$0x0] =	vst.idx.msk $0xffff, v19  }
0x6b: {  	[tilespmem:v12+s12+$0x0] =	vst.idx.msk $0xffff, v21  }
0x6c: {  	[tilespmem:v13+s12+$0x0] =	vst.idx.msk $0xffff, v22  }
0x6d: {  	[tilespmem:v14+s12+$0x0] =	vst.idx.msk $0xffff, v8  }
0x6e: {  	s17 =	sadd.s32 $0x1, s17;
	[tilespmem:v15+s12+$0x0] =	vst.idx.msk $0xffff, v63  }
0x6f: {  	[hbm4b:s7+s9] =	stream.strided.scatter [tilespmem:s12], [sflag:$0x3], $0x2000, s10, s9, $0x38;
	[tilespmem:$0x1DF70] =	vst v63  }
0x70: {  	p1 =	sne.s32 s17, s8;
	_ =	swait.ge [sflag:s15], $0x2000  }
.Ltmp2:
0x71: {  	[sflag:s15] =	ssyncset.done $0x0;
	(pc) =	sbr.rel @p1 .LBB2_1-.Ltmp2, $4  }
0x72: {  	[sflag:s15] =	ssyncadd.s32 $0xFFFFE000  }
0x73: {  	_ =	swait.ge [sflag:s16], $0x2000  }
0x74: {  	[sflag:s16] =	ssyncset.done $0x0  }
0x75: {  	[sflag:s16] =	ssyncadd.s32 $0xFFFFE000  }
0x76: {  	_ =	sfence.sel $0x180000  }
0x77: {  	[bflag:$0x0] =	sbarrier.arrive $0xFFFF  }
0x78: {  	_ =	strace $0x90000047  }
0x79: {  	s0 =	sadd.s32 @!p0 $0x100000, s0;
	[bflag:$0x2] =	sbarrier.arrive $0xFFFF  }
0x7a: {  	[sflag:s0] =	ssyncadd.tile.s32 @!p0 $0x1;
	_ =	shalt  }
.Lfunc_end2:
_tile_overlayer_lowered:
.L_overlay_start_2:
0x7b: {  	(tag) =	ssettag $0x2  }
0x7c: {  	s0 =	rddreg [dreg:$0x0];
	s2 =	stileid.u32  }
0x7d: {  	s1 =	rddreg [dreg:$0x1];
	p0 =	sne.s32 s2, $0x0  }
0x7e: {  	s3 =	rddreg [dreg:$0x2];
	[bflag:$0x3] =	sbarrier.arrive $0xFFFF;
	s2 =	simm.s32 @!p0 $0x1C04  }
0x7f: {  	[timem:s3], [sflag:s2] =	dma.local @!p0 [hbm:s0], s1  }
0x80: {  	s0 =	simm.s32 @!p0 $0x4  }
0x81: {  	_ =	swait.ge @!p0 [sflag:s0], s1  }
0x82: {  	s1 =	ssub.s32 @!p0 $0x0, s1;
	[sflag:s0] =	ssyncset.done @!p0 $0x0  }
0x83: {  	[sflag:s0] =	ssyncadd.s32 @!p0 s1  }
0x84: {  	[bflag:$0x3] =	sbarrier.arrive $0xFFFF  }
0x85: {  	_ =	shalt  }

</sc_bundles>
